<compile_context>
chip_gen: v7x
topology: tpu7x:2x2x1
jax: 0.10.2.dev20260603
libtpu: 0.0.44.dev20260713+nightly
codegen_flags: <defaults>
</compile_context>

<pallas_src>
import functools

import jax
import jax.numpy as jnp
from jax.experimental import pallas as pl
from jax.experimental.pallas import tpu as pltpu
from jax.experimental.pallas import tpu_sc as plsc


_NSUB = 16


def _sc_gather(c_table, c_idx, m_table, m_idx):
    nc = c_idx.shape[0]
    nm = m_idx.shape[0]
    wc = (-(-nc // _NSUB) + 15) // 16 * 16
    full_c = nc // wc
    tail_c = nc - full_c * wc
    wm = nm // _NSUB
    dim = c_table.shape[1]
    mesh = plsc.VectorSubcoreMesh(core_axis_name="c", subcore_axis_name="s")

    @pl.kernel(
        out_type=(
            jax.ShapeDtypeStruct((nc, dim), c_table.dtype),
            jax.ShapeDtypeStruct((nm, dim), m_table.dtype),
        ),
        mesh=mesh,
        scratch_types=[
            pltpu.VMEM((max(wc, wm),), jnp.int32),
            pltpu.VMEM((max(wc, wm), dim), jnp.float32),
            pltpu.SemaphoreType.DMA,
        ],
    )
    def gather_kernel(c_hbm, ci_hbm, m_hbm, mi_hbm, o_dia, o_med,
                      idxb, rowb, sem):
        core = jax.lax.axis_index("c")
        sub = jax.lax.axis_index("s")

        @pl.when((core == 0) & (sub < full_c))
        def _():
            base = sub * wc
            pltpu.async_copy(ci_hbm.at[pl.ds(base, wc)], idxb.at[:wc],
                             sem).wait()
            pltpu.sync_copy(c_hbm.at[idxb.at[:wc]], rowb.at[:wc])
            pltpu.async_copy(rowb.at[:wc], o_dia.at[pl.ds(base, wc)],
                             sem).wait()

        if tail_c:
            @pl.when((core == 0) & (sub == full_c))
            def _():
                base = full_c * wc
                pltpu.async_copy(ci_hbm.at[pl.ds(base, tail_c)],
                                 idxb.at[:tail_c], sem).wait()
                pltpu.sync_copy(c_hbm.at[idxb.at[:tail_c]],
                                rowb.at[:tail_c])
                pltpu.async_copy(rowb.at[:tail_c],
                                 o_dia.at[pl.ds(base, tail_c)], sem).wait()

        @pl.when(core == 1)
        def _():
            base = sub * wm
            pltpu.async_copy(mi_hbm.at[pl.ds(base, wm)], idxb.at[:wm],
                             sem).wait()
            pltpu.sync_copy(m_hbm.at[idxb.at[:wm]], rowb.at[:wm])
            pltpu.async_copy(rowb.at[:wm], o_med.at[pl.ds(base, wm)],
                             sem).wait()

    return gather_kernel(c_table, c_idx, m_table, m_idx)


def _tc_body(nc, nm, dia_ref, med_ref, hat, w1, b1, w2, att2, b2, wl,
             o1, o2):
    f32 = jnp.float32
    c = w2.shape[1]
    dia = dia_ref[...][:nc]
    med = med_ref[...][:nm]
    xd = jnp.dot(dia, w2[...], preferred_element_type=f32)
    xm = jnp.dot(med, w2[...], preferred_element_type=f32)
    he = jnp.dot(hat[...], w2[...], preferred_element_type=f32)

    att = att2[...]
    an = att[:c][None, :]
    ae = att[c:][None, :]
    b1v = b1[...][None, :]
    b2v = b2[...][None, :]
    wl_t = wl[...][:c]
    wl_b = wl[...][c:]
    v = jnp.sum(he * ae, axis=1, keepdims=True)
    ud = jnp.sum(xd * an, axis=1, keepdims=True)
    um = jnp.sum(xm * an, axis=1)

    lrelu = lambda x: jnp.maximum(x, 0.2 * x)
    a_dis = lrelu(ud + v)
    amat = lrelu(v + um[None, :])
    a_max = jnp.maximum(jnp.max(amat, axis=1, keepdims=True), a_dis)
    emat = jnp.exp(amat - a_max)
    p = jnp.exp(a_dis - a_max)
    ssum = jnp.sum(emat, axis=1, keepdims=True)
    denom = p + ssum + 1e-16
    g = jnp.dot(emat, xm, preferred_element_type=f32)
    ef = (p * xd + g) / denom * (1.0 / (nm + 1))
    sum1 = jnp.sum((p / denom) * ef, axis=0)[None, :]
    sum2 = jnp.sum((ssum / denom) * ef, axis=0)[None, :]

    sum_dia = jnp.sum(dia, axis=0)[None, :]
    sum_med = jnp.sum(med, axis=0)[None, :]
    t1 = jnp.dot(sum_dia, w1[...], preferred_element_type=f32) + nc * b1v
    t2 = jnp.dot(sum_med, w1[...], preferred_element_type=f32) + nm * b1v

    r1 = sum1 + nc * b2v
    r2 = sum2 * (1.0 / nc) + nm * b2v
    o1[...] = (jnp.dot(r1, wl_t, preferred_element_type=f32)
               + jnp.dot(t1, wl_b, preferred_element_type=f32))
    o2[...] = (jnp.dot(r2, wl_t, preferred_element_type=f32)
               + jnp.dot(t2, wl_b, preferred_element_type=f32))


def kernel(c_it, medicine_it, c_embeddings, m_embeddings, W1, b1, W2, att2,
           b2, Wl, hyperedge_attr):
    nc = c_it.shape[0]
    nm = medicine_it.shape[0]
    c = W2.shape[1]

    ci = c_it.astype(jnp.int32)
    mi = medicine_it.astype(jnp.int32)
    dia, med = _sc_gather(c_embeddings, ci, m_embeddings, mi)

    i1, i2 = pl.pallas_call(
        functools.partial(_tc_body, nc, nm),
        out_shape=(
            jax.ShapeDtypeStruct((1, c), jnp.float32),
            jax.ShapeDtypeStruct((1, c), jnp.float32),
        ),
    )(dia, med, hyperedge_attr, W1, b1, W2, att2, b2, Wl)

    return i1.reshape(1, 1, c), i2.reshape(1, 1, c)

# --- scband reference (transcript-rebuilt; emitter-appended) ---
"""Pipeline reference for scband-hypergraph-part-40218073760239 (READ-ONLY COPY).

The authoritative reference and input builder live on the scoring server;
editing this copy changes nothing except your own understanding.
"""

import jax, jax.numpy as jnp
import numpy as np

IN_C = 128
OUT_C = 128
NC = 1000
NM = 512
CV = 50000
MV = 10000


def hypergraph_conv(x, node_idx, edge_idx, num_edges, W, bias, att=None, hyperedge_attr=None):
    # Faithful port of torch_geometric HypergraphConv (heads=1, concat=True, dropout=0).
    num_nodes = x.shape[0]
    x = x @ W
    alpha = None
    if att is not None:
        he = hyperedge_attr @ W
        x_i = x[node_idx]
        x_j = he[edge_idx]
        a = jnp.sum(jnp.concatenate([x_i, x_j], axis=-1) * att[None, :], axis=-1)
        a = jax.nn.leaky_relu(a, 0.2)
        # attention_mode='node': softmax grouped by hyperedge id
        a_max = jax.ops.segment_max(a, edge_idx, num_segments=num_edges)
        a_exp = jnp.exp(a - a_max[edge_idx])
        a_sum = jax.ops.segment_sum(a_exp, edge_idx, num_segments=num_edges)
        alpha = a_exp / (a_sum[edge_idx] + 1e-16)
    ones = jnp.ones(node_idx.shape[0], dtype=x.dtype)
    D = jax.ops.segment_sum(ones, node_idx, num_segments=num_nodes)
    Dinv = jnp.where(D > 0, 1.0 / D, 0.0)
    B = jax.ops.segment_sum(ones, edge_idx, num_segments=num_edges)
    Binv = jnp.where(B > 0, 1.0 / B, 0.0)
    # node -> hyperedge
    msg = Binv[edge_idx][:, None] * x[node_idx]
    if alpha is not None:
        msg = alpha[:, None] * msg
    edge_feat = jax.ops.segment_sum(msg, edge_idx, num_segments=num_edges)
    # hyperedge -> node
    msg2 = Dinv[node_idx][:, None] * edge_feat[edge_idx]
    if alpha is not None:
        msg2 = alpha[:, None] * msg2
    out = jax.ops.segment_sum(msg2, node_idx, num_segments=num_nodes)
    return out + bias[None, :]


def setup_inputs(seed: int = 0):
    key = jax.random.key(seed)
    ks = jax.random.split(key, 9)
    c_it = jax.random.randint(ks[0], (NC,), 0, CV)
    medicine_it = jax.random.randint(ks[1], (NM,), 0, MV)
    c_embeddings = jax.random.normal(ks[2], (CV, IN_C), dtype=jnp.float32)
    m_embeddings = jax.random.normal(ks[3], (MV, IN_C), dtype=jnp.float32)
    W1 = jax.random.normal(ks[4], (IN_C, OUT_C), dtype=jnp.float32) * 0.05
    b1 = jnp.zeros((OUT_C,), dtype=jnp.float32)
    W2 = jax.random.normal(ks[5], (IN_C, OUT_C), dtype=jnp.float32) * 0.05
    att2 = jax.random.normal(ks[6], (2 * OUT_C,), dtype=jnp.float32) * 0.05
    b2 = jnp.zeros((OUT_C,), dtype=jnp.float32)
    Wl = jax.random.normal(ks[7], (2 * OUT_C, OUT_C), dtype=jnp.float32) * 0.05
    hyperedge_attr = jax.random.normal(ks[8], (NC, IN_C), dtype=jnp.float32)
    return {"c_it": c_it, "medicine_it": medicine_it, "c_embeddings": c_embeddings,
            "m_embeddings": m_embeddings, "W1": W1, "b1": b1, "W2": W2,
            "att2": att2, "b2": b2, "Wl": Wl, "hyperedge_attr": hyperedge_attr}


def reference(c_it, medicine_it, c_embeddings, m_embeddings, W1, b1, W2, att2, b2, Wl, hyperedge_attr):
    Nc = c_it.shape[0]
    Nm = medicine_it.shape[0]
    # diagnosis hypergraph: one hyperedge containing all disease nodes
    dia_emb = c_embeddings[c_it]
    dia_node_feature = hypergraph_conv(dia_emb, jnp.arange(Nc), jnp.zeros(Nc, dtype=jnp.int32), 1, W1, b1)
    # medicine hypergraph: one hyperedge containing all medicine nodes
    med_emb = m_embeddings[medicine_it]
    med_node_feature = hypergraph_conv(med_emb, jnp.arange(Nm), jnp.zeros(Nm, dtype=jnp.int32), 1, W1, b1)
    # dual hypergraph: for each disease d, hyperedge {d} U all medicine nodes
    combined = jnp.concatenate([dia_emb, med_emb], axis=0)
    med_nodes = jnp.arange(Nc, Nc + Nm)
    node_idx = jnp.concatenate([jnp.arange(Nc)[:, None],
                                jnp.broadcast_to(med_nodes[None, :], (Nc, Nm))], axis=1).reshape(-1)
    edge_idx = jnp.repeat(jnp.arange(Nc), Nm + 1)
    dia_med = hypergraph_conv(combined, node_idx, edge_idx, Nc, W2, b2, att=att2, hyperedge_attr=hyperedge_attr)
    disease_final = jnp.concatenate([dia_med[:Nc], dia_node_feature], axis=1)
    med_final = jnp.concatenate([dia_med[Nc:], med_node_feature], axis=1)
    final = jnp.concatenate([disease_final, med_final], axis=0)
    final = final @ Wl
    i1 = jnp.sum(final[:Nc], axis=0).reshape(1, 1, -1)
    i2 = jnp.sum(final[Nc:], axis=0).reshape(1, 1, -1)
    return (i1, i2)

if __name__ == "__main__":
    import jax
    _d = setup_inputs()
    print(jax.jit(kernel)(*tuple(_d.values())))

</pallas_src>

<mosaic_0001>
#map = affine_map<(d0, d1) -> (0, 0)>
#map1 = affine_map<(d0, d1) -> (0)>
module attributes {stable_mosaic.version = 14 : i64} {
  func.func @gather_kernel(%arg0: i32, %arg1: i32, %arg2: memref<50000x128xf32, #tpu.memory_space<hbm>>, %arg3: memref<1000xi32, #tpu.memory_space<hbm>>, %arg4: memref<10000x128xf32, #tpu.memory_space<hbm>>, %arg5: memref<512xi32, #tpu.memory_space<hbm>>, %arg6: memref<1000x128xf32, #tpu.memory_space<hbm>>, %arg7: memref<512x128xf32, #tpu.memory_space<hbm>>, %arg8: memref<64xi32, #tpu.memory_space<vmem>>, %arg9: memref<64x128xf32, #tpu.memory_space<vmem>>, %arg10: memref<!tpu.dma_semaphore, #tpu.memory_space<semaphore_mem>>) attributes {dimension_semantics = [#tpu.dimension_semantics<core_parallel>, #tpu.dimension_semantics<subcore_parallel>], iteration_bounds = array<i64: 2, 16>, scalar_prefetch = 0 : i64, scratch_operands = 3 : i64, tpu.core_type = #tpu.core_type<sc_vector_subcore>, window_params = [{transform_indices = #map}, {transform_indices = #map1}, {transform_indices = #map}, {transform_indices = #map1}, {transform_indices = #map}, {transform_indices = #map}]} {
    %eq3A = arith.constant 0 : i32
    %eq3A_0 = arith.cmpi eq, %arg0, %eq3A : i32
    %lt3A = arith.constant 15 : i32
    %lt3A_1 = arith.cmpi slt, %arg1, %lt3A : i32
    %and3A = arith.andi %eq3A_0, %lt3A_1 : i1
    %convert_element_type3A = arith.extui %and3A : i1 to i32
    %cond3A = arith.constant 0 : i32
    %cond3A_2 = arith.cmpi ne, %convert_element_type3A, %cond3A : i32
    scf.if %cond3A_2 {
      %mul3A = arith.constant 64 : i32
      %mul3A_16 = arith.muli %arg1, %mul3A : i32
      %dma_start3A = arith.constant 0 : i32
      %dma_start3A_17 = tpu.memref_slice %arg8[%dma_start3A] : memref<64xi32, #tpu.memory_space<vmem>> -> memref<64xi32, #tpu.memory_space<vmem>>
      %dma_start3A_18 = tpu.memref_slice %arg3[%mul3A_16] : memref<1000xi32, #tpu.memory_space<hbm>> -> memref<64xi32, #tpu.memory_space<hbm>>
      %dma_start3A_19 = arith.constant 0 : i32
      %dma_start3A_20 = tpu.memref_slice %arg8[%dma_start3A_19] : memref<64xi32, #tpu.memory_space<vmem>> -> memref<64xi32, #tpu.memory_space<vmem>>
      %dma_start3A_21 = tpu.memref_slice %arg3[%mul3A_16] : memref<1000xi32, #tpu.memory_space<hbm>> -> memref<64xi32, #tpu.memory_space<hbm>>
      tpu.enqueue_dma source(%dma_start3A_21 : memref<64xi32, #tpu.memory_space<hbm>>) target(%dma_start3A_20 : memref<64xi32, #tpu.memory_space<vmem>>) target_semaphore(%arg10 : memref<!tpu.dma_semaphore, #tpu.memory_space<semaphore_mem>>)
      %dma_wait3A = arith.constant 0 : i32
      %dma_wait3A_22 = tpu.memref_slice %arg8[%dma_wait3A] : memref<64xi32, #tpu.memory_space<vmem>> -> memref<64xi32, #tpu.memory_space<vmem>>
      %dma_wait3A_23 = tpu.memref_slice %arg3[%mul3A_16] : memref<1000xi32, #tpu.memory_space<hbm>> -> memref<64xi32, #tpu.memory_space<hbm>>
      %dma_wait3A_24 = arith.constant 0 : i32
      %dma_wait3A_25 = tpu.memref_slice %arg8[%dma_wait3A_24] : memref<64xi32, #tpu.memory_space<vmem>> -> memref<64xi32, #tpu.memory_space<vmem>>
      %dma_wait3A_26 = tpu.memref_slice %arg3[%mul3A_16] : memref<1000xi32, #tpu.memory_space<hbm>> -> memref<64xi32, #tpu.memory_space<hbm>>
      tpu.wait_dma2 semaphore(%arg10 : memref<!tpu.dma_semaphore, #tpu.memory_space<semaphore_mem>>) src(%dma_wait3A_26 : memref<64xi32, #tpu.memory_space<hbm>>) dst(%dma_wait3A_25 : memref<64xi32, #tpu.memory_space<vmem>>)
      "tpu.region"() ({
        %run_scoped3A = tpu.sem_alloc : memref<!tpu.dma_semaphore, #tpu.memory_space<semaphore_mem>>
        %dma_start3A_47 = arith.constant 0 : i32
        %dma_start3A_48 = arith.constant 0 : i32
        %dma_start3A_49 = tpu.memref_slice %arg9[%dma_start3A_47, %dma_start3A_48] : memref<64x128xf32, #tpu.memory_space<vmem>> -> memref<64x128xf32, #tpu.memory_space<vmem>>
        %dma_start3A_50 = arith.constant 0 : i32
        %dma_start3A_51 = tpu.memref_slice %arg8[%dma_start3A_50] : memref<64xi32, #tpu.memory_space<vmem>> -> memref<64xi32, #tpu.memory_space<vmem>>
        %dma_start3A_52 = arith.constant 0 : i32
        %dma_start3A_53 = arith.constant 0 : i32
        %dma_start3A_54 = tpu.memref_slice %arg2[%dma_start3A_52, %dma_start3A_53] : memref<50000x128xf32, #tpu.memory_space<hbm>> -> memref<50000x128xf32, #tpu.memory_space<hbm>>
        tpu.enqueue_indirect_dma source(%dma_start3A_54 : memref<50000x128xf32, #tpu.memory_space<hbm>>) target(%dma_start3A_49 : memref<64x128xf32, #tpu.memory_space<vmem>>) offsets(%dma_start3A_51 : memref<64xi32, #tpu.memory_space<vmem>>) semaphore(%run_scoped3A : memref<!tpu.dma_semaphore, #tpu.memory_space<semaphore_mem>>)
        %dma_wait3A_55 = arith.constant 0 : i32
        %dma_wait3A_56 = arith.constant 0 : i32
        %dma_wait3A_57 = tpu.memref_slice %arg9[%dma_wait3A_55, %dma_wait3A_56] : memref<64x128xf32, #tpu.memory_space<vmem>> -> memref<64x128xf32, #tpu.memory_space<vmem>>
        %dma_wait3A_58 = arith.constant 0 : i32
        %dma_wait3A_59 = tpu.memref_slice %arg8[%dma_wait3A_58] : memref<64xi32, #tpu.memory_space<vmem>> -> memref<64xi32, #tpu.memory_space<vmem>>
        %dma_wait3A_60 = arith.constant 0 : i32
        %dma_wait3A_61 = arith.constant 0 : i32
        %dma_wait3A_62 = tpu.memref_slice %arg2[%dma_wait3A_60, %dma_wait3A_61] : memref<50000x128xf32, #tpu.memory_space<hbm>> -> memref<50000x128xf32, #tpu.memory_space<hbm>>
        tpu.wait_indirect_dma semaphore(%run_scoped3A : memref<!tpu.dma_semaphore, #tpu.memory_space<semaphore_mem>>) src(%dma_wait3A_62 : memref<50000x128xf32, #tpu.memory_space<hbm>>) dst(%dma_wait3A_57 : memref<64x128xf32, #tpu.memory_space<vmem>>)
        tpu.yield
      }) : () -> ()
      %dma_start3A_27 = arith.constant 0 : i32
      %dma_start3A_28 = arith.constant 0 : i32
      %dma_start3A_29 = tpu.memref_slice %arg9[%dma_start3A_27, %dma_start3A_28] : memref<64x128xf32, #tpu.memory_space<vmem>> -> memref<64x128xf32, #tpu.memory_space<vmem>>
      %dma_start3A_30 = arith.constant 0 : i32
      %dma_start3A_31 = tpu.memref_slice %arg6[%mul3A_16, %dma_start3A_30] : memref<1000x128xf32, #tpu.memory_space<hbm>> -> memref<64x128xf32, #tpu.memory_space<hbm>>
      %dma_start3A_32 = arith.constant 0 : i32
      %dma_start3A_33 = tpu.memref_slice %arg6[%mul3A_16, %dma_start3A_32] : memref<1000x128xf32, #tpu.memory_space<hbm>> -> memref<64x128xf32, #tpu.memory_space<hbm>>
      %dma_start3A_34 = arith.constant 0 : i32
      %dma_start3A_35 = arith.constant 0 : i32
      %dma_start3A_36 = tpu.memref_slice %arg9[%dma_start3A_34, %dma_start3A_35] : memref<64x128xf32, #tpu.memory_space<vmem>> -> memref<64x128xf32, #tpu.memory_space<vmem>>
      tpu.enqueue_dma source(%dma_start3A_36 : memref<64x128xf32, #tpu.memory_space<vmem>>) target(%dma_start3A_33 : memref<64x128xf32, #tpu.memory_space<hbm>>) target_semaphore(%arg10 : memref<!tpu.dma_semaphore, #tpu.memory_space<semaphore_mem>>)
      %dma_wait3A_37 = arith.constant 0 : i32
      %dma_wait3A_38 = arith.constant 0 : i32
      %dma_wait3A_39 = tpu.memref_slice %arg9[%dma_wait3A_37, %dma_wait3A_38] : memref<64x128xf32, #tpu.memory_space<vmem>> -> memref<64x128xf32, #tpu.memory_space<vmem>>
      %dma_wait3A_40 = arith.constant 0 : i32
      %dma_wait3A_41 = tpu.memref_slice %arg6[%mul3A_16, %dma_wait3A_40] : memref<1000x128xf32, #tpu.memory_space<hbm>> -> memref<64x128xf32, #tpu.memory_space<hbm>>
      %dma_wait3A_42 = arith.constant 0 : i32
      %dma_wait3A_43 = tpu.memref_slice %arg6[%mul3A_16, %dma_wait3A_42] : memref<1000x128xf32, #tpu.memory_space<hbm>> -> memref<64x128xf32, #tpu.memory_space<hbm>>
      %dma_wait3A_44 = arith.constant 0 : i32
      %dma_wait3A_45 = arith.constant 0 : i32
      %dma_wait3A_46 = tpu.memref_slice %arg9[%dma_wait3A_44, %dma_wait3A_45] : memref<64x128xf32, #tpu.memory_space<vmem>> -> memref<64x128xf32, #tpu.memory_space<vmem>>
      tpu.wait_dma2 semaphore(%arg10 : memref<!tpu.dma_semaphore, #tpu.memory_space<semaphore_mem>>) src(%dma_wait3A_46 : memref<64x128xf32, #tpu.memory_space<vmem>>) dst(%dma_wait3A_43 : memref<64x128xf32, #tpu.memory_space<hbm>>)
    } else {
    }
    %eq3A_3 = arith.constant 0 : i32
    %eq3A_4 = arith.cmpi eq, %arg0, %eq3A_3 : i32
    %eq3A_5 = arith.constant 15 : i32
    %eq3A_6 = arith.cmpi eq, %arg1, %eq3A_5 : i32
    %and3A_7 = arith.andi %eq3A_4, %eq3A_6 : i1
    %convert_element_type3A_8 = arith.extui %and3A_7 : i1 to i32
    %cond3A_9 = arith.constant 0 : i32
    %cond3A_10 = arith.cmpi ne, %convert_element_type3A_8, %cond3A_9 : i32
    scf.if %cond3A_10 {
      %dma_start3A = arith.constant 0 : i32
      %dma_start3A_16 = tpu.memref_slice %arg8[%dma_start3A] : memref<64xi32, #tpu.memory_space<vmem>> -> memref<40xi32, #tpu.memory_space<vmem>>
      %dma_start3A_17 = arith.constant 960 : i32
      %dma_start3A_18 = tpu.memref_slice %arg3[%dma_start3A_17] : memref<1000xi32, #tpu.memory_space<hbm>> -> memref<40xi32, #tpu.memory_space<hbm>>
      %dma_start3A_19 = arith.constant 0 : i32
      %dma_start3A_20 = tpu.memref_slice %arg8[%dma_start3A_19] : memref<64xi32, #tpu.memory_space<vmem>> -> memref<40xi32, #tpu.memory_space<vmem>>
      %dma_start3A_21 = arith.constant 960 : i32
      %dma_start3A_22 = tpu.memref_slice %arg3[%dma_start3A_21] : memref<1000xi32, #tpu.memory_space<hbm>> -> memref<40xi32, #tpu.memory_space<hbm>>
      tpu.enqueue_dma source(%dma_start3A_22 : memref<40xi32, #tpu.memory_space<hbm>>) target(%dma_start3A_20 : memref<40xi32, #tpu.memory_space<vmem>>) target_semaphore(%arg10 : memref<!tpu.dma_semaphore, #tpu.memory_space<semaphore_mem>>)
      %dma_wait3A = arith.constant 0 : i32
      %dma_wait3A_23 = tpu.memref_slice %arg8[%dma_wait3A] : memref<64xi32, #tpu.memory_space<vmem>> -> memref<40xi32, #tpu.memory_space<vmem>>
      %dma_wait3A_24 = arith.constant 960 : i32
      %dma_wait3A_25 = tpu.memref_slice %arg3[%dma_wait3A_24] : memref<1000xi32, #tpu.memory_space<hbm>> -> memref<40xi32, #tpu.memory_space<hbm>>
      %dma_wait3A_26 = arith.constant 0 : i32
      %dma_wait3A_27 = tpu.memref_slice %arg8[%dma_wait3A_26] : memref<64xi32, #tpu.memory_space<vmem>> -> memref<40xi32, #tpu.memory_space<vmem>>
      %dma_wait3A_28 = arith.constant 960 : i32
      %dma_wait3A_29 = tpu.memref_slice %arg3[%dma_wait3A_28] : memref<1000xi32, #tpu.memory_space<hbm>> -> memref<40xi32, #tpu.memory_space<hbm>>
      tpu.wait_dma2 semaphore(%arg10 : memref<!tpu.dma_semaphore, #tpu.memory_space<semaphore_mem>>) src(%dma_wait3A_29 : memref<40xi32, #tpu.memory_space<hbm>>) dst(%dma_wait3A_27 : memref<40xi32, #tpu.memory_space<vmem>>)
      "tpu.region"() ({
        %run_scoped3A = tpu.sem_alloc : memref<!tpu.dma_semaphore, #tpu.memory_space<semaphore_mem>>
        %dma_start3A_54 = arith.constant 0 : i32
        %dma_start3A_55 = arith.constant 0 : i32
        %dma_start3A_56 = tpu.memref_slice %arg9[%dma_start3A_54, %dma_start3A_55] : memref<64x128xf32, #tpu.memory_space<vmem>> -> memref<40x128xf32, #tpu.memory_space<vmem>>
        %dma_start3A_57 = arith.constant 0 : i32
        %dma_start3A_58 = tpu.memref_slice %arg8[%dma_start3A_57] : memref<64xi32, #tpu.memory_space<vmem>> -> memref<40xi32, #tpu.memory_space<vmem>>
        %dma_start3A_59 = arith.constant 0 : i32
        %dma_start3A_60 = arith.constant 0 : i32
        %dma_start3A_61 = tpu.memref_slice %arg2[%dma_start3A_59, %dma_start3A_60] : memref<50000x128xf32, #tpu.memory_space<hbm>> -> memref<50000x128xf32, #tpu.memory_space<hbm>>
        tpu.enqueue_indirect_dma source(%dma_start3A_61 : memref<50000x128xf32, #tpu.memory_space<hbm>>) target(%dma_start3A_56 : memref<40x128xf32, #tpu.memory_space<vmem>>) offsets(%dma_start3A_58 : memref<40xi32, #tpu.memory_space<vmem>>) semaphore(%run_scoped3A : memref<!tpu.dma_semaphore, #tpu.memory_space<semaphore_mem>>)
        %dma_wait3A_62 = arith.constant 0 : i32
        %dma_wait3A_63 = arith.constant 0 : i32
        %dma_wait3A_64 = tpu.memref_slice %arg9[%dma_wait3A_62, %dma_wait3A_63] : memref<64x128xf32, #tpu.memory_space<vmem>> -> memref<40x128xf32, #tpu.memory_space<vmem>>
        %dma_wait3A_65 = arith.constant 0 : i32
        %dma_wait3A_66 = tpu.memref_slice %arg8[%dma_wait3A_65] : memref<64xi32, #tpu.memory_space<vmem>> -> memref<40xi32, #tpu.memory_space<vmem>>
        %dma_wait3A_67 = arith.constant 0 : i32
        %dma_wait3A_68 = arith.constant 0 : i32
        %dma_wait3A_69 = tpu.memref_slice %arg2[%dma_wait3A_67, %dma_wait3A_68] : memref<50000x128xf32, #tpu.memory_space<hbm>> -> memref<50000x128xf32, #tpu.memory_space<hbm>>
        tpu.wait_indirect_dma semaphore(%run_scoped3A : memref<!tpu.dma_semaphore, #tpu.memory_space<semaphore_mem>>) src(%dma_wait3A_69 : memref<50000x128xf32, #tpu.memory_space<hbm>>) dst(%dma_wait3A_64 : memref<40x128xf32, #tpu.memory_space<vmem>>)
        tpu.yield
      }) : () -> ()
      %dma_start3A_30 = arith.constant 0 : i32
      %dma_start3A_31 = arith.constant 0 : i32
      %dma_start3A_32 = tpu.memref_slice %arg9[%dma_start3A_30, %dma_start3A_31] : memref<64x128xf32, #tpu.memory_space<vmem>> -> memref<40x128xf32, #tpu.memory_space<vmem>>
      %dma_start3A_33 = arith.constant 960 : i32
      %dma_start3A_34 = arith.constant 0 : i32
      %dma_start3A_35 = tpu.memref_slice %arg6[%dma_start3A_33, %dma_start3A_34] : memref<1000x128xf32, #tpu.memory_space<hbm>> -> memref<40x128xf32, #tpu.memory_space<hbm>>
      %dma_start3A_36 = arith.constant 960 : i32
      %dma_start3A_37 = arith.constant 0 : i32
      %dma_start3A_38 = tpu.memref_slice %arg6[%dma_start3A_36, %dma_start3A_37] : memref<1000x128xf32, #tpu.memory_space<hbm>> -> memref<40x128xf32, #tpu.memory_space<hbm>>
      %dma_start3A_39 = arith.constant 0 : i32
      %dma_start3A_40 = arith.constant 0 : i32
      %dma_start3A_41 = tpu.memref_slice %arg9[%dma_start3A_39, %dma_start3A_40] : memref<64x128xf32, #tpu.memory_space<vmem>> -> memref<40x128xf32, #tpu.memory_space<vmem>>
      tpu.enqueue_dma source(%dma_start3A_41 : memref<40x128xf32, #tpu.memory_space<vmem>>) target(%dma_start3A_38 : memref<40x128xf32, #tpu.memory_space<hbm>>) target_semaphore(%arg10 : memref<!tpu.dma_semaphore, #tpu.memory_space<semaphore_mem>>)
      %dma_wait3A_42 = arith.constant 0 : i32
      %dma_wait3A_43 = arith.constant 0 : i32
      %dma_wait3A_44 = tpu.memref_slice %arg9[%dma_wait3A_42, %dma_wait3A_43] : memref<64x128xf32, #tpu.memory_space<vmem>> -> memref<40x128xf32, #tpu.memory_space<vmem>>
      %dma_wait3A_45 = arith.constant 960 : i32
      %dma_wait3A_46 = arith.constant 0 : i32
      %dma_wait3A_47 = tpu.memref_slice %arg6[%dma_wait3A_45, %dma_wait3A_46] : memref<1000x128xf32, #tpu.memory_space<hbm>> -> memref<40x128xf32, #tpu.memory_space<hbm>>
      %dma_wait3A_48 = arith.constant 960 : i32
      %dma_wait3A_49 = arith.constant 0 : i32
      %dma_wait3A_50 = tpu.memref_slice %arg6[%dma_wait3A_48, %dma_wait3A_49] : memref<1000x128xf32, #tpu.memory_space<hbm>> -> memref<40x128xf32, #tpu.memory_space<hbm>>
      %dma_wait3A_51 = arith.constant 0 : i32
      %dma_wait3A_52 = arith.constant 0 : i32
      %dma_wait3A_53 = tpu.memref_slice %arg9[%dma_wait3A_51, %dma_wait3A_52] : memref<64x128xf32, #tpu.memory_space<vmem>> -> memref<40x128xf32, #tpu.memory_space<vmem>>
      tpu.wait_dma2 semaphore(%arg10 : memref<!tpu.dma_semaphore, #tpu.memory_space<semaphore_mem>>) src(%dma_wait3A_53 : memref<40x128xf32, #tpu.memory_space<vmem>>) dst(%dma_wait3A_50 : memref<40x128xf32, #tpu.memory_space<hbm>>)
    } else {
    }
    %eq3A_11 = arith.constant 1 : i32
    %eq3A_12 = arith.cmpi eq, %arg0, %eq3A_11 : i32
    %convert_element_type3A_13 = arith.extui %eq3A_12 : i1 to i32
    %cond3A_14 = arith.constant 0 : i32
    %cond3A_15 = arith.cmpi ne, %convert_element_type3A_13, %cond3A_14 : i32
    scf.if %cond3A_15 {
      %mul3A = arith.constant 32 : i32
      %mul3A_16 = arith.muli %arg1, %mul3A : i32
      %dma_start3A = arith.constant 0 : i32
      %dma_start3A_17 = tpu.memref_slice %arg8[%dma_start3A] : memref<64xi32, #tpu.memory_space<vmem>> -> memref<32xi32, #tpu.memory_space<vmem>>
      %dma_start3A_18 = tpu.memref_slice %arg5[%mul3A_16] : memref<512xi32, #tpu.memory_space<hbm>> -> memref<32xi32, #tpu.memory_space<hbm>>
      %dma_start3A_19 = arith.constant 0 : i32
      %dma_start3A_20 = tpu.memref_slice %arg8[%dma_start3A_19] : memref<64xi32, #tpu.memory_space<vmem>> -> memref<32xi32, #tpu.memory_space<vmem>>
      %dma_start3A_21 = tpu.memref_slice %arg5[%mul3A_16] : memref<512xi32, #tpu.memory_space<hbm>> -> memref<32xi32, #tpu.memory_space<hbm>>
      tpu.enqueue_dma source(%dma_start3A_21 : memref<32xi32, #tpu.memory_space<hbm>>) target(%dma_start3A_20 : memref<32xi32, #tpu.memory_space<vmem>>) target_semaphore(%arg10 : memref<!tpu.dma_semaphore, #tpu.memory_space<semaphore_mem>>)
      %dma_wait3A = arith.constant 0 : i32
      %dma_wait3A_22 = tpu.memref_slice %arg8[%dma_wait3A] : memref<64xi32, #tpu.memory_space<vmem>> -> memref<32xi32, #tpu.memory_space<vmem>>
      %dma_wait3A_23 = tpu.memref_slice %arg5[%mul3A_16] : memref<512xi32, #tpu.memory_space<hbm>> -> memref<32xi32, #tpu.memory_space<hbm>>
      %dma_wait3A_24 = arith.constant 0 : i32
      %dma_wait3A_25 = tpu.memref_slice %arg8[%dma_wait3A_24] : memref<64xi32, #tpu.memory_space<vmem>> -> memref<32xi32, #tpu.memory_space<vmem>>
      %dma_wait3A_26 = tpu.memref_slice %arg5[%mul3A_16] : memref<512xi32, #tpu.memory_space<hbm>> -> memref<32xi32, #tpu.memory_space<hbm>>
      tpu.wait_dma2 semaphore(%arg10 : memref<!tpu.dma_semaphore, #tpu.memory_space<semaphore_mem>>) src(%dma_wait3A_26 : memref<32xi32, #tpu.memory_space<hbm>>) dst(%dma_wait3A_25 : memref<32xi32, #tpu.memory_space<vmem>>)
      "tpu.region"() ({
        %run_scoped3A = tpu.sem_alloc : memref<!tpu.dma_semaphore, #tpu.memory_space<semaphore_mem>>
        %dma_start3A_47 = arith.constant 0 : i32
        %dma_start3A_48 = arith.constant 0 : i32
        %dma_start3A_49 = tpu.memref_slice %arg9[%dma_start3A_47, %dma_start3A_48] : memref<64x128xf32, #tpu.memory_space<vmem>> -> memref<32x128xf32, #tpu.memory_space<vmem>>
        %dma_start3A_50 = arith.constant 0 : i32
        %dma_start3A_51 = tpu.memref_slice %arg8[%dma_start3A_50] : memref<64xi32, #tpu.memory_space<vmem>> -> memref<32xi32, #tpu.memory_space<vmem>>
        %dma_start3A_52 = arith.constant 0 : i32
        %dma_start3A_53 = arith.constant 0 : i32
        %dma_start3A_54 = tpu.memref_slice %arg4[%dma_start3A_52, %dma_start3A_53] : memref<10000x128xf32, #tpu.memory_space<hbm>> -> memref<10000x128xf32, #tpu.memory_space<hbm>>
        tpu.enqueue_indirect_dma source(%dma_start3A_54 : memref<10000x128xf32, #tpu.memory_space<hbm>>) target(%dma_start3A_49 : memref<32x128xf32, #tpu.memory_space<vmem>>) offsets(%dma_start3A_51 : memref<32xi32, #tpu.memory_space<vmem>>) semaphore(%run_scoped3A : memref<!tpu.dma_semaphore, #tpu.memory_space<semaphore_mem>>)
        %dma_wait3A_55 = arith.constant 0 : i32
        %dma_wait3A_56 = arith.constant 0 : i32
        %dma_wait3A_57 = tpu.memref_slice %arg9[%dma_wait3A_55, %dma_wait3A_56] : memref<64x128xf32, #tpu.memory_space<vmem>> -> memref<32x128xf32, #tpu.memory_space<vmem>>
        %dma_wait3A_58 = arith.constant 0 : i32
        %dma_wait3A_59 = tpu.memref_slice %arg8[%dma_wait3A_58] : memref<64xi32, #tpu.memory_space<vmem>> -> memref<32xi32, #tpu.memory_space<vmem>>
        %dma_wait3A_60 = arith.constant 0 : i32
        %dma_wait3A_61 = arith.constant 0 : i32
        %dma_wait3A_62 = tpu.memref_slice %arg4[%dma_wait3A_60, %dma_wait3A_61] : memref<10000x128xf32, #tpu.memory_space<hbm>> -> memref<10000x128xf32, #tpu.memory_space<hbm>>
        tpu.wait_indirect_dma semaphore(%run_scoped3A : memref<!tpu.dma_semaphore, #tpu.memory_space<semaphore_mem>>) src(%dma_wait3A_62 : memref<10000x128xf32, #tpu.memory_space<hbm>>) dst(%dma_wait3A_57 : memref<32x128xf32, #tpu.memory_space<vmem>>)
        tpu.yield
      }) : () -> ()
      %dma_start3A_27 = arith.constant 0 : i32
      %dma_start3A_28 = arith.constant 0 : i32
      %dma_start3A_29 = tpu.memref_slice %arg9[%dma_start3A_27, %dma_start3A_28] : memref<64x128xf32, #tpu.memory_space<vmem>> -> memref<32x128xf32, #tpu.memory_space<vmem>>
      %dma_start3A_30 = arith.constant 0 : i32
      %dma_start3A_31 = tpu.memref_slice %arg7[%mul3A_16, %dma_start3A_30] : memref<512x128xf32, #tpu.memory_space<hbm>> -> memref<32x128xf32, #tpu.memory_space<hbm>>
      %dma_start3A_32 = arith.constant 0 : i32
      %dma_start3A_33 = tpu.memref_slice %arg7[%mul3A_16, %dma_start3A_32] : memref<512x128xf32, #tpu.memory_space<hbm>> -> memref<32x128xf32, #tpu.memory_space<hbm>>
      %dma_start3A_34 = arith.constant 0 : i32
      %dma_start3A_35 = arith.constant 0 : i32
      %dma_start3A_36 = tpu.memref_slice %arg9[%dma_start3A_34, %dma_start3A_35] : memref<64x128xf32, #tpu.memory_space<vmem>> -> memref<32x128xf32, #tpu.memory_space<vmem>>
      tpu.enqueue_dma source(%dma_start3A_36 : memref<32x128xf32, #tpu.memory_space<vmem>>) target(%dma_start3A_33 : memref<32x128xf32, #tpu.memory_space<hbm>>) target_semaphore(%arg10 : memref<!tpu.dma_semaphore, #tpu.memory_space<semaphore_mem>>)
      %dma_wait3A_37 = arith.constant 0 : i32
      %dma_wait3A_38 = arith.constant 0 : i32
      %dma_wait3A_39 = tpu.memref_slice %arg9[%dma_wait3A_37, %dma_wait3A_38] : memref<64x128xf32, #tpu.memory_space<vmem>> -> memref<32x128xf32, #tpu.memory_space<vmem>>
      %dma_wait3A_40 = arith.constant 0 : i32
      %dma_wait3A_41 = tpu.memref_slice %arg7[%mul3A_16, %dma_wait3A_40] : memref<512x128xf32, #tpu.memory_space<hbm>> -> memref<32x128xf32, #tpu.memory_space<hbm>>
      %dma_wait3A_42 = arith.constant 0 : i32
      %dma_wait3A_43 = tpu.memref_slice %arg7[%mul3A_16, %dma_wait3A_42] : memref<512x128xf32, #tpu.memory_space<hbm>> -> memref<32x128xf32, #tpu.memory_space<hbm>>
      %dma_wait3A_44 = arith.constant 0 : i32
      %dma_wait3A_45 = arith.constant 0 : i32
      %dma_wait3A_46 = tpu.memref_slice %arg9[%dma_wait3A_44, %dma_wait3A_45] : memref<64x128xf32, #tpu.memory_space<vmem>> -> memref<32x128xf32, #tpu.memory_space<vmem>>
      tpu.wait_dma2 semaphore(%arg10 : memref<!tpu.dma_semaphore, #tpu.memory_space<semaphore_mem>>) src(%dma_wait3A_46 : memref<32x128xf32, #tpu.memory_space<vmem>>) dst(%dma_wait3A_43 : memref<32x128xf32, #tpu.memory_space<hbm>>)
    } else {
    }
    return
  }
}

module attributes {stable_mosaic.version = 14 : i64} {
  func.func @_tc_body(%arg0: memref<1000x128xf32, #tpu.memory_space<vmem>>, %arg1: memref<512x128xf32, #tpu.memory_space<vmem>>, %arg2: memref<1000x128xf32, #tpu.memory_space<vmem>>, %arg3: memref<128x128xf32, #tpu.memory_space<vmem>>, %arg4: memref<128xf32, #tpu.memory_space<vmem>>, %arg5: memref<128x128xf32, #tpu.memory_space<vmem>>, %arg6: memref<256xf32, #tpu.memory_space<vmem>>, %arg7: memref<128xf32, #tpu.memory_space<vmem>>, %arg8: memref<256x128xf32, #tpu.memory_space<vmem>>, %arg9: memref<1x128xf32, #tpu.memory_space<vmem>>, %arg10: memref<1x128xf32, #tpu.memory_space<vmem>>) attributes {dimension_semantics = [], scalar_prefetch = 0 : i64, scratch_operands = 0 : i64, tpu.core_type = #tpu.core_type<tc>} {
    %get3A = arith.constant 0 : index
    %get3A_0 = arith.constant 0 : index
    %get3A_1 = vector.load %arg0[%get3A, %get3A_0] : memref<1000x128xf32, #tpu.memory_space<vmem>>, vector<1000x128xf32>
    %get3A_2 = arith.constant 0 : index
    %get3A_3 = arith.constant 0 : index
    %get3A_4 = vector.load %arg1[%get3A_2, %get3A_3] : memref<512x128xf32, #tpu.memory_space<vmem>>, vector<512x128xf32>
    %get3A_5 = arith.constant 0 : index
    %get3A_6 = arith.constant 0 : index
    %get3A_7 = vector.load %arg5[%get3A_5, %get3A_6] : memref<128x128xf32, #tpu.memory_space<vmem>>, vector<128x128xf32>
    %dot_general3A = arith.constant dense<0.000000e+00> : vector<1000x128xf32>
    %dot_general3A_8 = tpu.matmul %get3A_1, %get3A_7, %dot_general3A {dimension_numbers = #tpu.dot_dimension_numbers<[1], [0], [0], [1], [0, 0, 1, 1], [], []>, transpose_lhs_hint = false} : vector<1000x128xf32>, vector<128x128xf32>, vector<1000x128xf32> -> vector<1000x128xf32>
    %get3A_9 = arith.constant 0 : index
    %get3A_10 = arith.constant 0 : index
    %get3A_11 = vector.load %arg5[%get3A_9, %get3A_10] : memref<128x128xf32, #tpu.memory_space<vmem>>, vector<128x128xf32>
    %dot_general3A_12 = arith.constant dense<0.000000e+00> : vector<512x128xf32>
    %dot_general3A_13 = tpu.matmul %get3A_4, %get3A_11, %dot_general3A_12 {dimension_numbers = #tpu.dot_dimension_numbers<[1], [0], [0], [1], [0, 0, 1, 1], [], []>, transpose_lhs_hint = false} : vector<512x128xf32>, vector<128x128xf32>, vector<512x128xf32> -> vector<512x128xf32>
    %get3A_14 = arith.constant 0 : index
    %get3A_15 = arith.constant 0 : index
    %get3A_16 = vector.load %arg2[%get3A_14, %get3A_15] : memref<1000x128xf32, #tpu.memory_space<vmem>>, vector<1000x128xf32>
    %get3A_17 = arith.constant 0 : index
    %get3A_18 = arith.constant 0 : index
    %get3A_19 = vector.load %arg5[%get3A_17, %get3A_18] : memref<128x128xf32, #tpu.memory_space<vmem>>, vector<128x128xf32>
    %dot_general3A_20 = arith.constant dense<0.000000e+00> : vector<1000x128xf32>
    %dot_general3A_21 = tpu.matmul %get3A_16, %get3A_19, %dot_general3A_20 {dimension_numbers = #tpu.dot_dimension_numbers<[1], [0], [0], [1], [0, 0, 1, 1], [], []>, transpose_lhs_hint = false} : vector<1000x128xf32>, vector<128x128xf32>, vector<1000x128xf32> -> vector<1000x128xf32>
    %get3A_22 = arith.constant 0 : index
    %get3A_23 = vector.load %arg6[%get3A_22] : memref<256xf32, #tpu.memory_space<vmem>>, vector<256xf32>
    %slice3A = vector.extract_strided_slice %get3A_23 {offsets = [0], sizes = [128], strides = [1]} : vector<256xf32> to vector<128xf32>
    %broadcast_in_dim3A = vector.shape_cast %slice3A : vector<128xf32> to vector<1x128xf32>
    %slice3A_24 = vector.extract_strided_slice %get3A_23 {offsets = [128], sizes = [128], strides = [1]} : vector<256xf32> to vector<128xf32>
    %broadcast_in_dim3A_25 = vector.shape_cast %slice3A_24 : vector<128xf32> to vector<1x128xf32>
    %get3A_26 = arith.constant 0 : index
    %get3A_27 = vector.load %arg4[%get3A_26] : memref<128xf32, #tpu.memory_space<vmem>>, vector<128xf32>
    %broadcast_in_dim3A_28 = vector.shape_cast %get3A_27 : vector<128xf32> to vector<1x128xf32>
    %get3A_29 = arith.constant 0 : index
    %get3A_30 = vector.load %arg7[%get3A_29] : memref<128xf32, #tpu.memory_space<vmem>>, vector<128xf32>
    %broadcast_in_dim3A_31 = vector.shape_cast %get3A_30 : vector<128xf32> to vector<1x128xf32>
    %get3A_32 = arith.constant 0 : index
    %get3A_33 = arith.constant 0 : index
    %get3A_34 = vector.load %arg8[%get3A_32, %get3A_33] : memref<256x128xf32, #tpu.memory_space<vmem>>, vector<256x128xf32>
    %slice3A_35 = vector.extract_strided_slice %get3A_34 {offsets = [0, 0], sizes = [128, 128], strides = [1, 1]} : vector<256x128xf32> to vector<128x128xf32>
    %get3A_36 = arith.constant 0 : index
    %get3A_37 = arith.constant 0 : index
    %get3A_38 = vector.load %arg8[%get3A_36, %get3A_37] : memref<256x128xf32, #tpu.memory_space<vmem>>, vector<256x128xf32>
    %slice3A_39 = vector.extract_strided_slice %get3A_38 {offsets = [128, 0], sizes = [128, 128], strides = [1, 1]} : vector<256x128xf32> to vector<128x128xf32>
    %mul3A = vector.broadcast %broadcast_in_dim3A_25 : vector<1x128xf32> to vector<1000x128xf32>
    %mul3A_40 = arith.mulf %dot_general3A_21, %mul3A : vector<1000x128xf32>
    %reduce_sum3A = arith.constant dense<0.000000e+00> : vector<1000xf32>
    %reduce_sum3A_41 = vector.multi_reduction <add>, %mul3A_40, %reduce_sum3A [1] : vector<1000x128xf32> to vector<1000xf32>
    %broadcast_in_dim3A_42 = vector.shape_cast %reduce_sum3A_41 : vector<1000xf32> to vector<1000x1xf32>
    %mul3A_43 = vector.broadcast %broadcast_in_dim3A : vector<1x128xf32> to vector<1000x128xf32>
    %mul3A_44 = arith.mulf %dot_general3A_8, %mul3A_43 : vector<1000x128xf32>
    %reduce_sum3A_45 = arith.constant dense<0.000000e+00> : vector<1000xf32>
    %reduce_sum3A_46 = vector.multi_reduction <add>, %mul3A_44, %reduce_sum3A_45 [1] : vector<1000x128xf32> to vector<1000xf32>
    %broadcast_in_dim3A_47 = vector.shape_cast %reduce_sum3A_46 : vector<1000xf32> to vector<1000x1xf32>
    %mul3A_48 = vector.broadcast %broadcast_in_dim3A : vector<1x128xf32> to vector<512x128xf32>
    %mul3A_49 = arith.mulf %dot_general3A_13, %mul3A_48 : vector<512x128xf32>
    %reduce_sum3A_50 = arith.constant dense<0.000000e+00> : vector<512xf32>
    %reduce_sum3A_51 = vector.multi_reduction <add>, %mul3A_49, %reduce_sum3A_50 [1] : vector<512x128xf32> to vector<512xf32>
    %add3A = arith.addf %broadcast_in_dim3A_47, %broadcast_in_dim3A_42 : vector<1000x1xf32>
    %mul3A_52 = arith.constant 2.000000e-01 : f32
    %mul3A_53 = vector.broadcast %mul3A_52 : f32 to vector<1000x1xf32>
    %mul3A_54 = arith.mulf %mul3A_53, %add3A : vector<1000x1xf32>
    %max3A = arith.maximumf %add3A, %mul3A_54 : vector<1000x1xf32>
    %broadcast_in_dim3A_55 = vector.shape_cast %reduce_sum3A_51 : vector<512xf32> to vector<1x512xf32>
    %add3A_56 = vector.broadcast %broadcast_in_dim3A_42 : vector<1000x1xf32> to vector<1000x512xf32>
    %add3A_57 = vector.broadcast %broadcast_in_dim3A_55 : vector<1x512xf32> to vector<1000x512xf32>
    %add3A_58 = arith.addf %add3A_56, %add3A_57 : vector<1000x512xf32>
    %mul3A_59 = arith.constant 2.000000e-01 : f32
    %mul3A_60 = vector.broadcast %mul3A_59 : f32 to vector<1000x512xf32>
    %mul3A_61 = arith.mulf %mul3A_60, %add3A_58 : vector<1000x512xf32>
    %max3A_62 = arith.maximumf %add3A_58, %mul3A_61 : vector<1000x512xf32>
    %reduce_max3A = arith.constant dense<0xFF800000> : vector<1000xf32>
    %reduce_max3A_63 = vector.multi_reduction <maximumf>, %max3A_62, %reduce_max3A [1] : vector<1000x512xf32> to vector<1000xf32>
    %broadcast_in_dim3A_64 = vector.shape_cast %reduce_max3A_63 : vector<1000xf32> to vector<1000x1xf32>
    %max3A_65 = arith.maximumf %broadcast_in_dim3A_64, %max3A : vector<1000x1xf32>
    %sub3A = vector.broadcast %max3A_65 : vector<1000x1xf32> to vector<1000x512xf32>
    %sub3A_66 = arith.subf %max3A_62, %sub3A : vector<1000x512xf32>
    %exp3A = math.exp %sub3A_66 : vector<1000x512xf32>
    %sub3A_67 = arith.subf %max3A, %max3A_65 : vector<1000x1xf32>
    %exp3A_68 = math.exp %sub3A_67 : vector<1000x1xf32>
    %reduce_sum3A_69 = arith.constant dense<0.000000e+00> : vector<1000xf32>
    %reduce_sum3A_70 = vector.multi_reduction <add>, %exp3A, %reduce_sum3A_69 [1] : vector<1000x512xf32> to vector<1000xf32>
    %broadcast_in_dim3A_71 = vector.shape_cast %reduce_sum3A_70 : vector<1000xf32> to vector<1000x1xf32>
    %add3A_72 = arith.addf %exp3A_68, %broadcast_in_dim3A_71 : vector<1000x1xf32>
    %add3A_73 = arith.constant 1.000000e-16 : f32
    %add3A_74 = vector.broadcast %add3A_73 : f32 to vector<1000x1xf32>
    %add3A_75 = arith.addf %add3A_72, %add3A_74 : vector<1000x1xf32>
    %dot_general3A_76 = arith.constant dense<0.000000e+00> : vector<1000x128xf32>
    %dot_general3A_77 = tpu.matmul %exp3A, %dot_general3A_13, %dot_general3A_76 {dimension_numbers = #tpu.dot_dimension_numbers<[1], [0], [0], [1], [0, 0, 1, 1], [], []>, transpose_lhs_hint = false} : vector<1000x512xf32>, vector<512x128xf32>, vector<1000x128xf32> -> vector<1000x128xf32>
    %mul3A_78 = vector.broadcast %exp3A_68 : vector<1000x1xf32> to vector<1000x128xf32>
    %mul3A_79 = arith.mulf %mul3A_78, %dot_general3A_8 : vector<1000x128xf32>
    %add3A_80 = arith.addf %mul3A_79, %dot_general3A_77 : vector<1000x128xf32>
    %div3A = vector.broadcast %add3A_75 : vector<1000x1xf32> to vector<1000x128xf32>
    %div3A_81 = arith.divf %add3A_80, %div3A : vector<1000x128xf32>
    %mul3A_82 = arith.constant 0.00194931775 : f32
    %mul3A_83 = vector.broadcast %mul3A_82 : f32 to vector<1000x128xf32>
    %mul3A_84 = arith.mulf %div3A_81, %mul3A_83 : vector<1000x128xf32>
    %div3A_85 = arith.divf %exp3A_68, %add3A_75 : vector<1000x1xf32>
    %mul3A_86 = vector.broadcast %div3A_85 : vector<1000x1xf32> to vector<1000x128xf32>
    %mul3A_87 = arith.mulf %mul3A_86, %mul3A_84 : vector<1000x128xf32>
    %reduce_sum3A_88 = arith.constant dense<0.000000e+00> : vector<128xf32>
    %reduce_sum3A_89 = vector.multi_reduction <add>, %mul3A_87, %reduce_sum3A_88 [0] : vector<1000x128xf32> to vector<128xf32>
    %broadcast_in_dim3A_90 = vector.shape_cast %reduce_sum3A_89 : vector<128xf32> to vector<1x128xf32>
    %div3A_91 = arith.divf %broadcast_in_dim3A_71, %add3A_75 : vector<1000x1xf32>
    %mul3A_92 = vector.broadcast %div3A_91 : vector<1000x1xf32> to vector<1000x128xf32>
    %mul3A_93 = arith.mulf %mul3A_92, %mul3A_84 : vector<1000x128xf32>
    %reduce_sum3A_94 = arith.constant dense<0.000000e+00> : vector<128xf32>
    %reduce_sum3A_95 = vector.multi_reduction <add>, %mul3A_93, %reduce_sum3A_94 [0] : vector<1000x128xf32> to vector<128xf32>
    %broadcast_in_dim3A_96 = vector.shape_cast %reduce_sum3A_95 : vector<128xf32> to vector<1x128xf32>
    %reduce_sum3A_97 = arith.constant dense<0.000000e+00> : vector<128xf32>
    %reduce_sum3A_98 = vector.multi_reduction <add>, %get3A_1, %reduce_sum3A_97 [0] : vector<1000x128xf32> to vector<128xf32>
    %broadcast_in_dim3A_99 = vector.shape_cast %reduce_sum3A_98 : vector<128xf32> to vector<1x128xf32>
    %reduce_sum3A_100 = arith.constant dense<0.000000e+00> : vector<128xf32>
    %reduce_sum3A_101 = vector.multi_reduction <add>, %get3A_4, %reduce_sum3A_100 [0] : vector<512x128xf32> to vector<128xf32>
    %broadcast_in_dim3A_102 = vector.shape_cast %reduce_sum3A_101 : vector<128xf32> to vector<1x128xf32>
    %get3A_103 = arith.constant 0 : index
    %get3A_104 = arith.constant 0 : index
    %get3A_105 = vector.load %arg3[%get3A_103, %get3A_104] : memref<128x128xf32, #tpu.memory_space<vmem>>, vector<128x128xf32>
    %dot_general3A_106 = arith.constant dense<0.000000e+00> : vector<1x128xf32>
    %dot_general3A_107 = tpu.matmul %broadcast_in_dim3A_99, %get3A_105, %dot_general3A_106 {dimension_numbers = #tpu.dot_dimension_numbers<[1], [0], [0], [1], [0, 0, 1, 1], [], []>, transpose_lhs_hint = false} : vector<1x128xf32>, vector<128x128xf32>, vector<1x128xf32> -> vector<1x128xf32>
    %mul3A_108 = arith.constant 1.000000e+03 : f32
    %mul3A_109 = vector.broadcast %mul3A_108 : f32 to vector<1x128xf32>
    %mul3A_110 = arith.mulf %mul3A_109, %broadcast_in_dim3A_28 : vector<1x128xf32>
    %add3A_111 = arith.addf %dot_general3A_107, %mul3A_110 : vector<1x128xf32>
    %get3A_112 = arith.constant 0 : index
    %get3A_113 = arith.constant 0 : index
    %get3A_114 = vector.load %arg3[%get3A_112, %get3A_113] : memref<128x128xf32, #tpu.memory_space<vmem>>, vector<128x128xf32>
    %dot_general3A_115 = arith.constant dense<0.000000e+00> : vector<1x128xf32>
    %dot_general3A_116 = tpu.matmul %broadcast_in_dim3A_102, %get3A_114, %dot_general3A_115 {dimension_numbers = #tpu.dot_dimension_numbers<[1], [0], [0], [1], [0, 0, 1, 1], [], []>, transpose_lhs_hint = false} : vector<1x128xf32>, vector<128x128xf32>, vector<1x128xf32> -> vector<1x128xf32>
    %mul3A_117 = arith.constant 5.120000e+02 : f32
    %mul3A_118 = vector.broadcast %mul3A_117 : f32 to vector<1x128xf32>
    %mul3A_119 = arith.mulf %mul3A_118, %broadcast_in_dim3A_28 : vector<1x128xf32>
    %add3A_120 = arith.addf %dot_general3A_116, %mul3A_119 : vector<1x128xf32>
    %mul3A_121 = arith.constant 1.000000e+03 : f32
    %mul3A_122 = vector.broadcast %mul3A_121 : f32 to vector<1x128xf32>
    %mul3A_123 = arith.mulf %mul3A_122, %broadcast_in_dim3A_31 : vector<1x128xf32>
    %add3A_124 = arith.addf %broadcast_in_dim3A_90, %mul3A_123 : vector<1x128xf32>
    %mul3A_125 = arith.constant 1.000000e-03 : f32
    %mul3A_126 = vector.broadcast %mul3A_125 : f32 to vector<1x128xf32>
    %mul3A_127 = arith.mulf %broadcast_in_dim3A_96, %mul3A_126 : vector<1x128xf32>
    %mul3A_128 = arith.constant 5.120000e+02 : f32
    %mul3A_129 = vector.broadcast %mul3A_128 : f32 to vector<1x128xf32>
    %mul3A_130 = arith.mulf %mul3A_129, %broadcast_in_dim3A_31 : vector<1x128xf32>
    %add3A_131 = arith.addf %mul3A_127, %mul3A_130 : vector<1x128xf32>
    %dot_general3A_132 = arith.constant dense<0.000000e+00> : vector<1x128xf32>
    %dot_general3A_133 = tpu.matmul %add3A_124, %slice3A_35, %dot_general3A_132 {dimension_numbers = #tpu.dot_dimension_numbers<[1], [0], [0], [1], [0, 0, 1, 1], [], []>, transpose_lhs_hint = false} : vector<1x128xf32>, vector<128x128xf32>, vector<1x128xf32> -> vector<1x128xf32>
    %dot_general3A_134 = arith.constant dense<0.000000e+00> : vector<1x128xf32>
    %dot_general3A_135 = tpu.matmul %add3A_111, %slice3A_39, %dot_general3A_134 {dimension_numbers = #tpu.dot_dimension_numbers<[1], [0], [0], [1], [0, 0, 1, 1], [], []>, transpose_lhs_hint = false} : vector<1x128xf32>, vector<128x128xf32>, vector<1x128xf32> -> vector<1x128xf32>
    %add3A_136 = arith.addf %dot_general3A_133, %dot_general3A_135 : vector<1x128xf32>
    %swap3A = arith.constant 0 : index
    %swap3A_137 = arith.constant 0 : index
    %swap3A_138 = vector.load %arg9[%swap3A, %swap3A_137] : memref<1x128xf32, #tpu.memory_space<vmem>>, vector<1x128xf32>
    tpu.vector_store %arg9[%swap3A, %swap3A_137], %add3A_136 {strides = array<i32>} : memref<1x128xf32, #tpu.memory_space<vmem>>, vector<1x128xf32>,
    %dot_general3A_139 = arith.constant dense<0.000000e+00> : vector<1x128xf32>
    %dot_general3A_140 = tpu.matmul %add3A_131, %slice3A_35, %dot_general3A_139 {dimension_numbers = #tpu.dot_dimension_numbers<[1], [0], [0], [1], [0, 0, 1, 1], [], []>, transpose_lhs_hint = false} : vector<1x128xf32>, vector<128x128xf32>, vector<1x128xf32> -> vector<1x128xf32>
    %dot_general3A_141 = arith.constant dense<0.000000e+00> : vector<1x128xf32>
    %dot_general3A_142 = tpu.matmul %add3A_120, %slice3A_39, %dot_general3A_141 {dimension_numbers = #tpu.dot_dimension_numbers<[1], [0], [0], [1], [0, 0, 1, 1], [], []>, transpose_lhs_hint = false} : vector<1x128xf32>, vector<128x128xf32>, vector<1x128xf32> -> vector<1x128xf32>
    %add3A_143 = arith.addf %dot_general3A_140, %dot_general3A_142 : vector<1x128xf32>
    %swap3A_144 = arith.constant 0 : index
    %swap3A_145 = arith.constant 0 : index
    %swap3A_146 = vector.load %arg10[%swap3A_144, %swap3A_145] : memref<1x128xf32, #tpu.memory_space<vmem>>, vector<1x128xf32>
    tpu.vector_store %arg10[%swap3A_144, %swap3A_145], %add3A_143 {strides = array<i32>} : memref<1x128xf32, #tpu.memory_space<vmem>>, vector<1x128xf32>,
    return
  }
}

</mosaic_0001>

<sc_bundles>
// kernel: kernel.4.cloned.1.call-start
scs
__scs_entry_jumppad:
0x0: {  	(pc) =	sbr.rel $0x88, $3  }
0x1: {  	(tag) =	ssettag $0x0;
	lr =	simm.s32 $0x1  }
0x2: {  	[smem:$0x3F96] =	sst lr;
	_ =	strace $0xD0000000  }
0x3: {  	_ = 	snop  }
0x4: {  	_ = 	snop  }
0x5: {  	_ = 	snop  }
0x6: {  	_ = 	snop  }
0x7: {  	_ = 	snop  }
__scs_overlays_trampoline_lowered:
0x8: {  	[smem:$0x3FA5] =	sst s0  }
0x9: {  	[smem:$0x3FA6] =	sst s1  }
0xa: {  	[smem:$0x3FA7] =	sst s2  }
0xb: {  	[smem:$0x3FA8] =	sst s3  }
0xc: {  	[smem:$0x3FA9] =	sst s4  }
0xd: {  	[smem:$0x3FAA] =	sst s5  }
0xe: {  	[smem:$0x3FAB] =	sst s6  }
0xf: {  	[smem:$0x3FAC] =	sst s7  }
0x10: {  	[smem:$0x3FAD] =	sst s8  }
0x11: {  	[smem:$0x3FAE] =	sst s9;
	s0 =	simm.s32 @!p0 $0x0  }
0x12: {  	s1 =	sld [smem:$0x3F94];
	s0 =	simm.s32 @p0 $0x1  }
0x13: {  	[smem:$0x3FAF] =	sst s0;
	s0 =	simm.s32 @!p1 $0x0  }
0x14: {  	s2 =	sld [smem:$0x3F93];
	s0 =	simm.s32 @p1 $0x1  }
0x15: {  	[smem:$0x3FB0] =	sst s0;
	s0 =	simm.s32 @!p2 $0x0  }
0x16: {  	s3 =	sld [smem:$0x3FDB];
	s0 =	simm.s32 @p2 $0x1  }
0x17: {  	s4 =	simm.s32 $0x1BF5;
	[smem:$0x3FB2] =	sst s0  }
0x18: {  	s0 =	sld [smem:$0x3F95];
	_ =	swait.ge [sflag:s4], $0x0  }
0x19: {  	s7 =	sld [smem:$0x3F96]  }
0x1a: {  	s8 =	sadd.s32 $0xFFFFE003, lr  }
0x1b: {  	s9 =	sadd.s32 $0xFFFFFEF7, lr;
	s5 =	simm.s32 $0xFFFFFFFF;
	p2 =	slt.u32 s8, $0xFFFFF086  }
0x1c: {  	p1 =	slt.u32 s9, $0xF7A;
	s5 =	simm.s32 @!p2 $0x0  }
0x1d: {  	s5 =	simm.s32 @p1 $0x1;
	p0 =	seq.s32 s7, s2  }
0x1e: {  	s7 =	smul.u32 @!p0 $0xF7A, s2;
	p2 =	seq.s32 @!p0 s5, $0x0  }
0x1f: {  	s9 =	smul.u32 $0xF7A, s1;
	s8 =	simm.s32 @!p0 $0x1BF5;
	p2 =	por !p2, p0  }
0x20: {  	[sflag:s8] =	ssyncset.s32 @!p0 $0xFFFFF086;
	s6 =	sadd.s32 @!p0 s3, s7;
	s7 =	simm.s32 @!p0 $0x108  }
0x21: {  	s3 =	sadd.s32 s3, s9;
	s6 =	sadd.s32 @!p0 $0x88, s6;
	s7 =	simm.s32 @p2 $0x1082  }
0x22: {  	[simem:s7], [sflag:s8] =	dma.local @!p0 [hbm:s6], $0xF7A  }
0x23: {  	s9 =	sor.u32 $0xD0000000, s2;
	s6 =	simm.s32 $0x108;
	_ =	swait.ge @!p0 [sflag:s8], $0x0  }
0x24: {  	s3 =	sadd.s32 $0x88, s3;
	s6 =	simm.s32 @!p1 $0x1082;
	[sflag:s4] =	ssyncset.s32 $0xFFFFF086  }
0x25: {  	[simem:s6], [sflag:s4] =	dma.local [hbm:s3], $0xF7A  }
0x26: {  	[smem:$0x3F96] =	sst s1;
	(tag) =	ssettag s2;
	_ =	strace s9  }
0x27: {  	s1 =	sld [smem:$0x3FA6]  }
0x28: {  	s2 =	sld [smem:$0x3FA7]  }
0x29: {  	s4 =	sld [smem:$0x3FA9]  }
0x2a: {  	p0 =	seq.s32 s5, $0x0;
	s5 =	sld [smem:$0x3FAA]  }
0x2b: {  	s6 =	sld [smem:$0x3FAB]  }
0x2c: {  	s7 =	sld [smem:$0x3FAC]  }
0x2d: {  	s3 =	simm.s32 $0x108;
	s8 =	sld [smem:$0x3FAD]  }
0x2e: {  	s3 =	simm.s32 @!p0 $0x1082;
	s9 =	sld [smem:$0x3FAE]  }
0x2f: {  	lr =	sadd.s32 s0, s3;
	s0 =	sld [smem:$0x3FA5]  }
0x30: {  	s3 =	sld [smem:$0x3FA8]  }
0x31: {  	[smem:$0x3FB1] =	sst s10  }
0x32: {  	s10 =	sld [smem:$0x3FAF];
	_ =	sdelay $0x3  }
0x33: {  	p0 =	seq.s32 s10, $0x1;
	s10 =	sld [smem:$0x3FB1];
	_ =	sdelay $0x3  }
0x34: {  	[smem:$0x3FB1] =	sst s10  }
0x35: {  	s10 =	sld [smem:$0x3FB0];
	_ =	sdelay $0x3  }
0x36: {  	p1 =	seq.s32 s10, $0x1;
	s10 =	sld [smem:$0x3FB1];
	_ =	sdelay $0x3  }
0x37: {  	[smem:$0x3FB1] =	sst s10  }
0x38: {  	s10 =	sld [smem:$0x3FB2]  }
0x39: {  	_ = 	snop;
	(pc) =	sbr.ind lr, $3  }
0x3a: {  	_ = 	snop  }
0x3b: {  	_ = 	snop  }
0x3c: {  	p2 =	seq.s32 s10, $0x1;
	s10 =	sld [smem:$0x3FB1]  }
0x3d: {  	_ =	shalt  }
0x3e: {  	_ =	shalt  }
0x3f: {  	_ =	shalt  }
0x40: {  	_ =	shalt  }
0x41: {  	_ =	shalt  }
0x42: {  	_ =	shalt  }
0x43: {  	_ =	shalt  }
0x44: {  	_ =	shalt  }
0x45: {  	_ =	shalt  }
0x46: {  	_ =	shalt  }
0x47: {  	_ =	shalt  }
0x48: {  	_ =	shalt  }
0x49: {  	_ =	shalt  }
0x4a: {  	_ =	shalt  }
0x4b: {  	_ =	shalt  }
0x4c: {  	_ =	shalt  }
0x4d: {  	_ =	shalt  }
0x4e: {  	_ =	shalt  }
0x4f: {  	_ =	shalt  }
0x50: {  	_ =	shalt  }
0x51: {  	_ =	shalt  }
0x52: {  	_ =	shalt  }
0x53: {  	_ =	shalt  }
0x54: {  	_ =	shalt  }
0x55: {  	_ =	shalt  }
0x56: {  	_ =	shalt  }
0x57: {  	_ =	shalt  }
0x58: {  	_ =	shalt  }
0x59: {  	_ =	shalt  }
0x5a: {  	_ =	shalt  }
0x5b: {  	_ =	shalt  }
0x5c: {  	_ =	shalt  }
0x5d: {  	_ =	shalt  }
0x5e: {  	_ =	shalt  }
0x5f: {  	_ =	shalt  }
0x60: {  	_ =	shalt  }
0x61: {  	_ =	shalt  }
0x62: {  	_ =	shalt  }
0x63: {  	_ =	shalt  }
0x64: {  	_ =	shalt  }
0x65: {  	_ =	shalt  }
0x66: {  	_ =	shalt  }
0x67: {  	_ =	shalt  }
0x68: {  	_ =	shalt  }
0x69: {  	_ =	shalt  }
0x6a: {  	_ =	shalt  }
0x6b: {  	_ =	shalt  }
0x6c: {  	_ =	shalt  }
0x6d: {  	_ =	shalt  }
0x6e: {  	_ =	shalt  }
0x6f: {  	_ =	shalt  }
0x70: {  	_ =	shalt  }
0x71: {  	_ =	shalt  }
0x72: {  	_ =	shalt  }
0x73: {  	_ =	shalt  }
0x74: {  	_ =	shalt  }
0x75: {  	_ =	shalt  }
0x76: {  	_ =	shalt  }
0x77: {  	_ =	shalt  }
0x78: {  	_ =	shalt  }
0x79: {  	_ =	shalt  }
0x7a: {  	_ =	shalt  }
0x7b: {  	_ =	shalt  }
0x7c: {  	_ =	shalt  }
0x7d: {  	_ =	shalt  }
0x7e: {  	_ =	shalt  }
0x7f: {  	_ =	shalt  }
0x80: {  	_ =	shalt  }
0x81: {  	_ =	shalt  }
0x82: {  	_ =	shalt  }
0x83: {  	_ =	shalt  }
0x84: {  	_ =	shalt  }
0x85: {  	_ =	shalt  }
0x86: {  	_ =	shalt  }
0x87: {  	_ =	shalt  }
.Lfunc_end0:
.L_simem_size_0:
called_computation_lowered:
.L_overlay_start_0:
0x88: {  	s2 =	sld [smem:$0x3FD9]  }
0x89: {  	s3 =	sld [smem:$0x3FFE];
	_ =	sdelay $0x1  }
0x8a: {  	s1 =	srdreg.scid  }
0x8b: {  	s0 =	sand.u32 $0x1, s1  }
0x8c: {  	s17 =	sshll.u32 s0, $0xA;
	s2 =	sadd.s32 s3, s2  }
0x8d: {  	s2 =	sadd.s32 s2, s17  }
0x8e: {  	[smem:$0x3FBD] =	sst s2  }
0x8f: {  	_ = 	snop  }
0x90: {  	s2 =	sld [smem:$0x3FC9]  }
0x91: {  	s18 =	sld [smem:$0x3FC8]  }
0x92: {  	s4 =	sld [smem:$0x3FC7]  }
0x93: {  	s5 =	sld [smem:$0x3FC6];
	(tm) =	ssettm $0x1  }
0x94: {  	s6 =	sld [smem:$0x3FFB];
	_ =	sdelay $0x3  }
0x95: {  	_ =	strace s6  }
0x96: {  	s6 =	sld [smem:$0x3FFC];
	_ =	sdelay $0x3  }
0x97: {  	_ =	strace s6  }
0x98: {  	s6 =	sld [smem:$0x3FFD];
	_ =	sdelay $0x3  }
0x99: {  	_ =	strace s6  }
0x9a: {  	_ =	strace $0x8FFFFFFF  }
0x9b: {  	s19 =	sld [smem:$0x3FDB];
	_ =	sdelay $0x1  }
0x9c: {  	s7 =	simm.s32 $_scs_section_size  }
0x9d: {  	s8 =	simm.s32 $_size__tile_overlayer_lowered;
	s9 =	simm.s32 $_tile_overlayer_lowered  }
0x9e: {  	s22 =	simm.s32 $0x1BFF;
	s21 =	sshll.u32 s9, $0x1;
	s6 =	sadd.s32 s7, s19  }
0x9f: {  	s10 =	simm.s32 $0x0;
	s20 =	sshll.u32 s8, $0x1;
	s8 =	sadd.s32 s21, s6  }
0xa0: {  	[timem:s10], [sflag:s22] =	dma.local [hbm:s8], s20  }
0xa1: {  	_ =	swait.ge [sflag:s22], s20  }
0xa2: {  	s7 =	ssub.s32 $0x0, s20;
	[sflag:s22] =	ssyncset.done $0x0  }
0xa3: {  	[sflag:s22] =	ssyncadd.s32 s7;
	_ =	sdelay $0x1  }
0xa4: {  	s23 =	simm.s32 $0x1B8B  }
0xa5: {  	_ =	swait.ge [sflag:s23], $0x1  }
0xa6: {  	[sflag:s23] =	ssyncset.done $0x0  }
0xa7: {  	s25 =	simm.s32 $0x1B8E;
	s24 =	sld [smem:$0x3FFE];
	[sflag:s23] =	ssyncadd.s32 $0xFFFFFFFF  }
0xa8: {  	s26 =	simm.s32 $execute0_lowered;
	[smem:$0x3FD2] =	sst s25  }
0xa9: {  	s8 =	sshll.u32 s26, $0x1;
	_ =	strace $0x80000046;
	[dreg:$0x1] =	wrdreg $0xFFFFFFFF  }
0xaa: {  	s28 =	simm.s32 $_size_execute0_lowered;
	s6 =	sadd.s32 s6, s8;
	[dreg:$0x0] =	wrdreg $0x0  }
0xab: {  	s8 =	sshll.u32 s28, $0x1;
	[dreg:$0x2] =	wrdreg s6  }
0xac: {  	[dreg:$0x3] =	wrdreg s8  }
0xad: {  	[dreg:$0x4] =	wrdreg $0xC0  }
0xae: {  	_ =	task [dreg:s10], $0x5FFFF  }
0xaf: {  	[dreg:$0x1] =	wrdreg $0xFFFFFFFF  }
0xb0: {  	[dreg:$0x0] =	wrdreg $0x60  }
0xb1: {  	[dreg:$0x2] =	wrdreg s4  }
0xb2: {  	[dreg:$0x3] =	wrdreg s2  }
0xb3: {  	[dreg:$0x4] =	wrdreg s5  }
0xb4: {  	[dreg:$0x5] =	wrdreg s18  }
0xb5: {  	[dreg:$0x6] =	wrdreg s24  }
0xb6: {  	[dreg:$0x7] =	wrdreg $0x9  }
0xb7: {  	_ =	task.clear_ibuf [dreg:s10], $0x8FFFF;
	_ =	strace $0x90000046  }
0xb8: {  	s29 =	simm.s32 $0x9;
	_ =	strace $0x80000048  }
0xb9: {  	_ =	swait.ge [sflag:s29], $0x1  }
0xba: {  	[sflag:s29] =	ssyncadd.s32 $0xFFFFFFFF  }
0xbb: {  	_ =	strace $0x90000048  }
0xbc: {  	_ =	sfence  }
0xbd: {  	s30 =	sld [smem:$0x0];
	_ =	sdelay $0x2  }
0xbe: {  	s31 =	sshll.u32 s1, $0xD;
	s1 =	sshrl.u32 s1, $0x2  }
0xbf: {  	s3 =	sand.u32 $0x4000, s31;
	s1 =	sadd.s32 s1, s30  }
0xc0: {  	s0 =	sor.u32 s3, s0;
	s1 =	sshll.u32 s1, $0x11  }
0xc1: {  	s0 =	sor.u32 s1, s0  }
0xc2: {  	s0 =	sadd.s32 $0x8F2B, s0  }
0xc3: {  	[sflag:s0] =	ssyncadd.remote.s32 $0x1  }
0xc4: {  	_ =	sfence.sel $0xFFFF  }
0xc5: {  	[dreg:$0x0] =	wrdreg $0xFFFFFFFF;
	(pc) =	sbr.abs _section_cstart, $3  }
0xc6: {  	[dreg:$0x1] =	wrdreg $0xFFFFFFFF  }
0xc7: {  	_ =	task.clear_ibuf [dreg:s10], $0x2FFFF;
	_ =	strace $0x9FFFFFFF  }
0xc8: {  	(tm) =	ssettm $0x7FFFFFFF  }
0xc9: {  	_ =	shalt  }
tec
execute0_lowered:
.L_overlay_start_1:
0x0: {  	(tag) =	ssettag $0x1  }
0x1: {  	s1 =	rddreg [dreg:$0x0]  }
0x2: {  	s3 =	rddreg [dreg:$0x1]  }
0x3: {  	s4 =	rddreg [dreg:$0x2]  }
0x4: {  	s5 =	rddreg [dreg:$0x3]  }
0x5: {  	s6 =	rddreg [dreg:$0x4]  }
0x6: {  	s0 =	rddreg [dreg:$0x5];
	s2 =	simm.s32 $0x0;
	s7 =	srdreg.scid  }
0x7: {  	p3 =	por $0x0, $0x0;
	[smem:$0x7FF] =	sst s2;
	s10 =	sand.u32 $0x1, s7  }
0x8: {  	s2 =	stileid.u32;
	_ =	strace $0x80000047;
	s7 =	ssub.s32 $0x2, s10  }
0x9: {  	s8 =	sshll.u32 s2, $0xA;
	s9 =	sshll.u32 s2, $0x9;
	s11 =	sshrl.u32 s7, $0x1  }
0xa: {  	p0 =	seq.s32 s10, $0x0;
	p1 =	sne.s32 s2, $0xF;
	s11 =	ssub.s32 s7, s11  }
0xb: {  	p2 =	seq.s32 s2, $0xF;
	s30 =	sshll.u32 s2, $0x2;
	s11 =	smax.u32 s11, $0x1  }
0xc: {  	s31 =	sshll.u32 s2, $0x3;
	s12 =	sadd.s32 s8, s6;
	s25 =	sadd.s32 $0xFFFFFFFF, s11  }
0xd: {  	p1 =	por !p0, !p1;
	p2 =	por !p0, !p2;
	p4 =	sne.s32 s25, $0x0  }
.Ltmp0:
0xe: {  	p0 =	por !p1, !p1;
	p1 =	por !p2, !p2;
	(pc) =	sbr.rel @!p4 .LBB2_3-.Ltmp0, $4  }
0xf: {  	s29 =	sadd.s32 s9, s6;
	s9 =	sadd.s32 s5, s30;
	p2 =	por p1, p0  }
0x10: {  	s6 =	sadd.s32 $0x5800, s6;
	s5 =	sadd.s32 s3, s31;
	p2 =	seq.s32 @!p2 s10, $0x0  }
0x11: {  	s8 =	sadd.s32 $0x5C00, s29;
	s7 =	sadd.s32 $0x78, s3;
	p2 =	por @!p0 p2, p1  }
0x12: {  	s3 =	sadd.s32 $0x1C00, s12;
	p1 =	por !p1, p0;
	p2 =	por p2, p0  }
0x13: {  	s10 =	simm.s32 @!p2 $0x0;
	s11 =	simm.s32 @!p2 $0x1  }
0x14: {  	[tilespmem:s10], [sflag:$0x1] =	stream.linear.gather @!p2 [hbm4b:s9+s10], $0x20, $0x38;
	[tilespmem:$0x2080] =	vst v63  }
0x15: {  	_ =	swait.ge @!p2 [sflag:s11], $0x20  }
0x16: {  	s12 =	simm.s32 @!p2 $0x2;
	[sflag:s11] =	ssyncset.done @!p2 $0x0  }
0x17: {  	s13 =	simm.s32 @!p2 $0x20;
	s14 =	simm.s32 @!p2 $0x80;
	[sflag:s11] =	ssyncadd.s32 @!p2 $0xFFFFFFE0  }
0x18: {  	[tilespmem:s14], [sflag:$0x2] =	stream.indirect.gather @!p2 [hbm4b:s4+s13], $0x80, s10, s13, $0xb8;
	[tilespmem:$0x2080] =	vst v63  }
0x19: {  	_ =	swait.ge @!p2 [sflag:s12], $0x1000  }
0x1a: {  	[sflag:s12] =	ssyncset.done @!p2 $0x0  }
0x1b: {  	[sflag:s12] =	ssyncadd.s32 @!p2 $0xFFFFF000  }
0x1c: {  	[hbm4b:s8+s10] =	stream.linear.scatter @!p2 [tilespmem:s14], [sflag:$0x1], $0x1000, $0x38;
	[tilespmem:$0x2080] =	vst v63  }
0x1d: {  	_ =	swait.ge @!p2 [sflag:s11], $0x1000  }
0x1e: {  	[sflag:s11] =	ssyncset.done @!p2 $0x0  }
0x1f: {  	s15 =	simm.s32 @!p1 $0x0;
	s16 =	simm.s32 @!p1 $0x1;
	[sflag:s11] =	ssyncadd.s32 @!p2 $0xFFFFF000  }
0x20: {  	[tilespmem:s15], [sflag:$0x1] =	stream.linear.gather @!p1 [hbm4b:s7+s15], $0x28, $0x38;
	[tilespmem:$0x2080] =	vst v63  }
0x21: {  	_ =	swait.ge @!p1 [sflag:s16], $0x28  }
0x22: {  	s17 =	simm.s32 @!p1 $0x2;
	[sflag:s16] =	ssyncset.done @!p1 $0x0  }
0x23: {  	s18 =	simm.s32 @!p1 $0x28;
	s19 =	simm.s32 @!p1 $0x80;
	[sflag:s16] =	ssyncadd.s32 @!p1 $0xFFFFFFD8  }
0x24: {  	[tilespmem:s19], [sflag:$0x2] =	stream.indirect.gather @!p1 [hbm4b:s1+s18], $0x80, s15, s18, $0xb8;
	[tilespmem:$0x2080] =	vst v63  }
0x25: {  	_ =	swait.ge @!p1 [sflag:s17], $0x1400  }
0x26: {  	[sflag:s17] =	ssyncset.done @!p1 $0x0  }
0x27: {  	[sflag:s17] =	ssyncadd.s32 @!p1 $0xFFFFEC00  }
0x28: {  	[hbm4b:s6+s15] =	stream.linear.scatter @!p1 [tilespmem:s19], [sflag:$0x1], $0x1400, $0x38;
	[tilespmem:$0x2080] =	vst v63  }
0x29: {  	_ =	swait.ge @!p1 [sflag:s16], $0x1400  }
0x2a: {  	[sflag:s16] =	ssyncset.done @!p1 $0x0  }
0x2b: {  	s21 =	simm.s32 @p0 $0x0;
	s20 =	simm.s32 @p0 $0x1;
	[sflag:s16] =	ssyncadd.s32 @!p1 $0xFFFFEC00  }
0x2c: {  	[tilespmem:s21], [sflag:$0x1] =	stream.linear.gather @p0 [hbm4b:s5+s21], $0x40, $0x38;
	[tilespmem:$0x2080] =	vst v63  }
0x2d: {  	_ =	swait.ge @p0 [sflag:s20], $0x40  }
0x2e: {  	s22 =	simm.s32 @p0 $0x2;
	s23 =	simm.s32 @p0 $0x40;
	[sflag:s20] =	ssyncset.done @p0 $0x0  }
0x2f: {  	s24 =	simm.s32 @p0 $0x80;
	s25 =	sadd.s32 $0xFFFFFFFF, s25;
	[sflag:s20] =	ssyncadd.s32 @p0 $0xFFFFFFC0  }
0x30: {  	[tilespmem:s24], [sflag:$0x2] =	stream.indirect.gather @p0 [hbm4b:s1+s23], $0x80, s21, s23, $0xb8;
	[tilespmem:$0x2080] =	vst v63  }
0x31: {  	p4 =	sne.s32 s25, $0x0;
	_ =	swait.ge @p0 [sflag:s22], $0x2000  }
.Ltmp1:
0x32: {  	[sflag:s22] =	ssyncset.done @p0 $0x0;
	(pc) =	sbr.rel @!p4 .LBB2_3-.Ltmp1, $4  }
0x33: {  	[sflag:s22] =	ssyncadd.s32 @p0 $0xFFFFE000  }
0x34: {  	[hbm4b:s3+s21] =	stream.linear.scatter @p0 [tilespmem:s24], [sflag:$0x1], $0x2000, $0x38;
	[tilespmem:$0x2080] =	vst v63  }
0x35: {  	_ =	swait.ge @p0 [sflag:s20], $0x2000  }
0x36: {  	p3 =	por $0x1, $0x1;
	[sflag:s20] =	ssyncset.done @p0 $0x0  }
.LBB2_2:
0x37: {  	[sflag:s20] =	ssyncadd.s32 @p0 $0xFFFFE000  }
0x38: {  	[tilespmem:s10], [sflag:$0x1] =	stream.linear.gather @!p2 [hbm4b:s9+s10], $0x20, $0x38;
	[tilespmem:$0x2080] =	vst v63  }
0x39: {  	s25 =	sadd.s32 $0xFFFFFFFF, s25;
	_ =	swait.ge @!p2 [sflag:s11], $0x20  }
0x3a: {  	p4 =	sne.s32 s25, $0x0;
	[sflag:s11] =	ssyncset.done @!p2 $0x0  }
0x3b: {  	[sflag:s11] =	ssyncadd.s32 @!p2 $0xFFFFFFE0  }
0x3c: {  	[tilespmem:s14], [sflag:$0x2] =	stream.indirect.gather @!p2 [hbm4b:s4+s13], $0x80, s10, s13, $0xb8;
	[tilespmem:$0x2080] =	vst v63  }
0x3d: {  	_ =	swait.ge @!p2 [sflag:s12], $0x1000  }
0x3e: {  	[sflag:s12] =	ssyncset.done @!p2 $0x0  }
0x3f: {  	[sflag:s12] =	ssyncadd.s32 @!p2 $0xFFFFF000  }
0x40: {  	[hbm4b:s8+s10] =	stream.linear.scatter @!p2 [tilespmem:s14], [sflag:$0x1], $0x1000, $0x38;
	[tilespmem:$0x2080] =	vst v63  }
0x41: {  	_ =	swait.ge @!p2 [sflag:s11], $0x1000  }
0x42: {  	[sflag:s11] =	ssyncset.done @!p2 $0x0  }
0x43: {  	[sflag:s11] =	ssyncadd.s32 @!p2 $0xFFFFF000  }
0x44: {  	[tilespmem:s15], [sflag:$0x1] =	stream.linear.gather @!p1 [hbm4b:s7+s15], $0x28, $0x38;
	[tilespmem:$0x2080] =	vst v63  }
0x45: {  	_ =	swait.ge @!p1 [sflag:s16], $0x28  }
0x46: {  	[sflag:s16] =	ssyncset.done @!p1 $0x0  }
0x47: {  	[sflag:s16] =	ssyncadd.s32 @!p1 $0xFFFFFFD8  }
0x48: {  	[tilespmem:s19], [sflag:$0x2] =	stream.indirect.gather @!p1 [hbm4b:s1+s18], $0x80, s15, s18, $0xb8;
	[tilespmem:$0x2080] =	vst v63  }
0x49: {  	_ =	swait.ge @!p1 [sflag:s17], $0x1400  }
0x4a: {  	[sflag:s17] =	ssyncset.done @!p1 $0x0  }
0x4b: {  	[sflag:s17] =	ssyncadd.s32 @!p1 $0xFFFFEC00  }
0x4c: {  	[hbm4b:s6+s15] =	stream.linear.scatter @!p1 [tilespmem:s19], [sflag:$0x1], $0x1400, $0x38;
	[tilespmem:$0x2080] =	vst v63  }
0x4d: {  	_ =	swait.ge @!p1 [sflag:s16], $0x1400  }
0x4e: {  	[sflag:s16] =	ssyncset.done @!p1 $0x0  }
0x4f: {  	[sflag:s16] =	ssyncadd.s32 @!p1 $0xFFFFEC00  }
0x50: {  	[tilespmem:s21], [sflag:$0x1] =	stream.linear.gather @p0 [hbm4b:s5+s21], $0x40, $0x38;
	[tilespmem:$0x2080] =	vst v63  }
0x51: {  	_ =	swait.ge @p0 [sflag:s20], $0x40  }
0x52: {  	[sflag:s20] =	ssyncset.done @p0 $0x0  }
0x53: {  	[sflag:s20] =	ssyncadd.s32 @p0 $0xFFFFFFC0  }
0x54: {  	[tilespmem:s24], [sflag:$0x2] =	stream.indirect.gather @p0 [hbm4b:s1+s23], $0x80, s21, s23, $0xb8;
	[tilespmem:$0x2080] =	vst v63  }
0x55: {  	_ =	swait.ge @p0 [sflag:s22], $0x2000  }
.Ltmp2:
0x56: {  	[sflag:s22] =	ssyncset.done @p0 $0x0;
	(pc) =	sbr.rel @p4 .LBB2_2-.Ltmp2, $4  }
0x57: {  	[sflag:s22] =	ssyncadd.s32 @p0 $0xFFFFE000  }
0x58: {  	[hbm4b:s3+s21] =	stream.linear.scatter @p0 [tilespmem:s24], [sflag:$0x1], $0x2000, $0x38;
	[tilespmem:$0x2080] =	vst v63  }
0x59: {  	_ =	swait.ge @p0 [sflag:s20], $0x2000  }
0x5a: {  	[sflag:s20] =	ssyncset.done @p0 $0x0  }
.LBB2_3:
0x5b: {  	p3 =	por !p0, !p3  }
0x5c: {  	s10 =	simm.s32 @!p2 $0x0;
	s11 =	simm.s32 @!p2 $0x1;
	[sflag:s20] =	ssyncadd.s32 @!p3 $0xFFFFE000  }
0x5d: {  	[tilespmem:s10], [sflag:$0x1] =	stream.linear.gather @!p2 [hbm4b:s9+s10], $0x20, $0x38;
	[tilespmem:$0x2080] =	vst v63  }
0x5e: {  	_ =	swait.ge @!p2 [sflag:s11], $0x20  }
0x5f: {  	s12 =	simm.s32 @!p2 $0x20;
	[sflag:s11] =	ssyncset.done @!p2 $0x0  }
0x60: {  	s13 =	simm.s32 @!p2 $0x80;
	s9 =	simm.s32 @!p2 $0x2;
	[sflag:s11] =	ssyncadd.s32 @!p2 $0xFFFFFFE0  }
0x61: {  	[tilespmem:s13], [sflag:$0x2] =	stream.indirect.gather @!p2 [hbm4b:s4+s12], $0x80, s10, s12, $0xb8;
	[tilespmem:$0x2080] =	vst v63  }
0x62: {  	_ =	swait.ge @!p2 [sflag:s9], $0x1000  }
0x63: {  	[sflag:s9] =	ssyncset.done @!p2 $0x0  }
0x64: {  	[sflag:s9] =	ssyncadd.s32 @!p2 $0xFFFFF000  }
0x65: {  	[hbm4b:s8+s10] =	stream.linear.scatter @!p2 [tilespmem:s13], [sflag:$0x1], $0x1000, $0x38;
	[tilespmem:$0x2080] =	vst v63  }
0x66: {  	_ =	swait.ge @!p2 [sflag:s11], $0x1000  }
0x67: {  	[sflag:s11] =	ssyncset.done @!p2 $0x0  }
0x68: {  	s4 =	simm.s32 @!p1 $0x0;
	s8 =	simm.s32 @!p1 $0x1;
	[sflag:s11] =	ssyncadd.s32 @!p2 $0xFFFFF000  }
0x69: {  	[tilespmem:s4], [sflag:$0x1] =	stream.linear.gather @!p1 [hbm4b:s7+s4], $0x28, $0x38;
	[tilespmem:$0x2080] =	vst v63  }
0x6a: {  	_ =	swait.ge @!p1 [sflag:s8], $0x28  }
0x6b: {  	s9 =	simm.s32 @!p1 $0x28;
	[sflag:s8] =	ssyncset.done @!p1 $0x0  }
0x6c: {  	s10 =	simm.s32 @!p1 $0x80;
	s7 =	simm.s32 @!p1 $0x2;
	[sflag:s8] =	ssyncadd.s32 @!p1 $0xFFFFFFD8  }
0x6d: {  	[tilespmem:s10], [sflag:$0x2] =	stream.indirect.gather @!p1 [hbm4b:s1+s9], $0x80, s4, s9, $0xb8;
	[tilespmem:$0x2080] =	vst v63  }
0x6e: {  	_ =	swait.ge @!p1 [sflag:s7], $0x1400  }
0x6f: {  	[sflag:s7] =	ssyncset.done @!p1 $0x0  }
0x70: {  	[sflag:s7] =	ssyncadd.s32 @!p1 $0xFFFFEC00  }
0x71: {  	[hbm4b:s6+s4] =	stream.linear.scatter @!p1 [tilespmem:s10], [sflag:$0x1], $0x1400, $0x38;
	[tilespmem:$0x2080] =	vst v63  }
0x72: {  	_ =	swait.ge @!p1 [sflag:s8], $0x1400  }
0x73: {  	[sflag:s8] =	ssyncset.done @!p1 $0x0  }
0x74: {  	s4 =	simm.s32 @p0 $0x0;
	s6 =	simm.s32 @p0 $0x1;
	[sflag:s8] =	ssyncadd.s32 @!p1 $0xFFFFEC00  }
0x75: {  	[tilespmem:s4], [sflag:$0x1] =	stream.linear.gather @p0 [hbm4b:s5+s4], $0x40, $0x38;
	[tilespmem:$0x2080] =	vst v63  }
0x76: {  	_ =	swait.ge @p0 [sflag:s6], $0x40  }
0x77: {  	s7 =	simm.s32 @p0 $0x40;
	[sflag:s6] =	ssyncset.done @p0 $0x0  }
0x78: {  	s8 =	simm.s32 @p0 $0x80;
	s5 =	simm.s32 @p0 $0x2;
	[sflag:s6] =	ssyncadd.s32 @p0 $0xFFFFFFC0  }
0x79: {  	[tilespmem:s8], [sflag:$0x2] =	stream.indirect.gather @p0 [hbm4b:s1+s7], $0x80, s4, s7, $0xb8;
	[tilespmem:$0x2080] =	vst v63  }
0x7a: {  	_ =	swait.ge @p0 [sflag:s5], $0x2000  }
0x7b: {  	[sflag:s5] =	ssyncset.done @p0 $0x0  }
0x7c: {  	[sflag:s5] =	ssyncadd.s32 @p0 $0xFFFFE000  }
0x7d: {  	[hbm4b:s3+s4] =	stream.linear.scatter @p0 [tilespmem:s8], [sflag:$0x1], $0x2000, $0x38;
	[tilespmem:$0x2080] =	vst v63  }
0x7e: {  	_ =	swait.ge @p0 [sflag:s6], $0x2000  }
0x7f: {  	[sflag:s6] =	ssyncset.done @p0 $0x0  }
0x80: {  	[sflag:s6] =	ssyncadd.s32 @p0 $0xFFFFE000  }
0x81: {  	_ =	sfence.sel $0x180000  }
0x82: {  	[bflag:$0x0] =	sbarrier.arrive $0xFFFF  }
0x83: {  	p0 =	sne.s32 s2, $0x0;
	_ =	strace $0x90000047  }
0x84: {  	s0 =	sadd.s32 @!p0 $0x100000, s0;
	[bflag:$0x2] =	sbarrier.arrive $0xFFFF  }
0x85: {  	[sflag:s0] =	ssyncadd.tile.s32 @!p0 $0x1;
	_ =	shalt  }
.Lfunc_end2:
_tile_overlayer_lowered:
.L_overlay_start_2:
0x86: {  	(tag) =	ssettag $0x2  }
0x87: {  	s0 =	rddreg [dreg:$0x0];
	s2 =	stileid.u32  }
0x88: {  	s1 =	rddreg [dreg:$0x1];
	p0 =	sne.s32 s2, $0x0  }
0x89: {  	s3 =	rddreg [dreg:$0x2];
	[bflag:$0x3] =	sbarrier.arrive $0xFFFF;
	s2 =	simm.s32 @!p0 $0x1C02  }
0x8a: {  	[timem:s3], [sflag:s2] =	dma.local @!p0 [hbm:s0], s1  }
0x8b: {  	s0 =	simm.s32 @!p0 $0x2  }
0x8c: {  	_ =	swait.ge @!p0 [sflag:s0], s1  }
0x8d: {  	s1 =	ssub.s32 @!p0 $0x0, s1;
	[sflag:s0] =	ssyncset.done @!p0 $0x0  }
0x8e: {  	[sflag:s0] =	ssyncadd.s32 @!p0 s1  }
0x8f: {  	[bflag:$0x3] =	sbarrier.arrive $0xFFFF  }
0x90: {  	_ =	shalt  }

</sc_bundles>
